<compile_context>
chip_gen: v7x
topology: tpu7x:2x2x1
jax: 0.10.2.dev20260603
libtpu: 0.0.44.dev20260713+nightly
codegen_flags: <defaults>
</compile_context>

<pallas_src>
import functools

import jax
import jax.numpy as jnp
from jax import lax
from jax.experimental import pallas as pl
from jax.experimental.pallas import tpu as pltpu
from jax.experimental.pallas import tpu_sc as plsc

_VOCAB = 18440
_EMBED = 100
_OUT = 2
_B = 4096
_L = 200

_NW = 32
_RPW = _B // _NW
_GPW = _RPW // 16
_LW = _L // 2
_TPJ = 104


def _prep_body(w_ref, tt_ref, tokt_ref, tw_ref, tokw_ref):
    tw_t = lax.dot_general(
        w_ref[...], tt_ref[...],
        (((0,), (0,)), ((), ())),
        preferred_element_type=jnp.float32,
    ) * (1.0 / _L)
    bits = lax.bitcast_convert_type(tw_t.astype(jnp.bfloat16), jnp.uint16)
    packed = bits[0].astype(jnp.uint32) | (bits[1].astype(jnp.uint32) * 65536)
    tw_ref[...] = packed.astype(jnp.int32)

    tokt = tokt_ref[...]
    words_t = tokt[: _LW, :] | (tokt[_LW :, :] * 65536)
    w3 = lax.transpose(words_t.reshape(_LW, _NW, _RPW), (1, 0, 2))
    tokw_ref[:, : _LW, :] = w3


def _prep(table_t, W, text_token_t):
    return pl.pallas_call(
        _prep_body,
        out_shape=(
            jax.ShapeDtypeStruct((_VOCAB,), jnp.int32),
            jax.ShapeDtypeStruct((_NW, _TPJ, _RPW), jnp.int32),
        ),
    )(W, table_t, text_token_t)


@functools.partial(
    pl.kernel,
    out_type=jax.ShapeDtypeStruct((_NW, _OUT, _RPW), jnp.float32),
    mesh=plsc.VectorSubcoreMesh(core_axis_name="c", subcore_axis_name="s"),
    compiler_params=pltpu.CompilerParams(needs_layout_passes=False),
    scratch_types=[
        pltpu.VMEM((_TPJ * _RPW,), jnp.int32),
        pltpu.VMEM((_VOCAB,), jnp.int32),
        pltpu.VMEM((_OUT * 16,), jnp.float32),
        pltpu.VMEM((_OUT, _RPW), jnp.float32),
    ],
)
def _sc_pool(tok_hbm, tw_hbm, bias_hbm, out_hbm, tok_v, tw_v, bias_v, out_v):
    wid = lax.axis_index("s") * 2 + lax.axis_index("c")
    nword = _TPJ * _RPW
    pltpu.sync_copy(tok_hbm.at[pl.ds(wid * nword, nword)], tok_v)
    pltpu.sync_copy(tw_hbm, tw_v)
    pltpu.sync_copy(bias_hbm, bias_v)
    bv0 = bias_v[pl.ds(0, 16)]
    bv1 = bias_v[pl.ds(16, 16)]
    lo_mask = jnp.full((16,), 0xFFFF, jnp.int32)
    hi_mask = jnp.full((16,), 0xFFFF0000, jnp.uint32).astype(jnp.int32)

    def unpack_pair(w):
        v0 = lax.bitcast_convert_type(lax.shift_left(w, 16), jnp.float32)
        v1 = lax.bitcast_convert_type(lax.bitwise_and(w, hi_mask), jnp.float32)
        return v0, v1

    zero = jnp.zeros((16,), jnp.float32)

    @plsc.parallel_loop(0, _LW, carry=(zero,) * (2 * _GPW))
    def accs(j, carry):
        new = []
        for g in range(_GPW):
            a0, a1 = carry[2 * g], carry[2 * g + 1]
            tokw = tok_v[pl.ds(j * _RPW + g * 16, 16)]
            t_lo = lax.bitwise_and(tokw, lo_mask)
            t_hi = lax.shift_right_logical(tokw, 16)
            w_lo = plsc.load_gather(tw_v, [t_lo])
            w_hi = plsc.load_gather(tw_v, [t_hi])
            v0l, v1l = unpack_pair(w_lo)
            v0h, v1h = unpack_pair(w_hi)
            new.append(a0 + (v0l + v0h))
            new.append(a1 + (v1l + v1h))
        return tuple(new)
    for g in range(_GPW):
        out_v[0, pl.ds(g * 16, 16)] = accs[2 * g] + bv0
        out_v[1, pl.ds(g * 16, 16)] = accs[2 * g + 1] + bv1

    pltpu.sync_copy(out_v, out_hbm.at[wid])


def kernel(text_token, table, W, b):
    tw_pack, tok_words = _prep(table.T, W, text_token.T)
    bias16 = jnp.broadcast_to(b[:, None], (_OUT, 16)).reshape(-1)
    out = _sc_pool(tok_words.reshape(-1), tw_pack, bias16)
    return jnp.transpose(out, (0, 2, 1)).reshape(_B, _OUT)

# --- scband reference (transcript-rebuilt; emitter-appended) ---
"""Pipeline reference for scband-text-net-180388626483 (READ-ONLY COPY).

The authoritative reference and input builder live on the scoring server;
editing this copy changes nothing except your own understanding.
"""

import jax, jax.numpy as jnp
import numpy as np

VOCAB = 18440
EMBED = 100
OUT = 2
B = 4096
L = 200

def setup_inputs(seed: int = 0) -> dict:
    key = jax.random.key(seed)
    k1, k2, k3, k4 = jax.random.split(key, 4)
    text_token = jax.random.randint(k1, (B, L), 0, VOCAB, dtype=jnp.int64 if jax.config.jax_enable_x64 else jnp.int32).astype(jnp.int32)
    table = jax.random.normal(k2, (VOCAB, EMBED), dtype=jnp.float32)
    W = jax.random.normal(k3, (EMBED, OUT), dtype=jnp.float32) * (1.0 / np.sqrt(EMBED))
    b = jax.random.normal(k4, (OUT,), dtype=jnp.float32) * 0.01
    return {"text_token": text_token, "table": table, "W": W, "b": b}

def reference(text_token, table, W, b):
    # embedding lookup: [B, L] -> [B, L, EMBED]
    embedded = jnp.take(table, text_token, axis=0)
    # avg_pool2d with kernel (L, 1) over [B, L, EMBED] then squeeze(1) == mean over seq dim
    pooled = jnp.mean(embedded, axis=1)
    # linear: [B, EMBED] @ [EMBED, OUT] + [OUT]
    out = pooled @ W + b
    return out

if __name__ == "__main__":
    import jax
    _d = setup_inputs()
    print(jax.jit(kernel)(*tuple(_d.values())))

</pallas_src>

<mosaic_0001>
#map = affine_map<(d0, d1) -> (0)>
#map1 = affine_map<(d0, d1) -> (0, 0, 0)>
module attributes {stable_mosaic.version = 14 : i64} {
  func.func @_sc_pool(%arg0: i32, %arg1: i32, %arg2: memref<425984xi32, #tpu.memory_space<hbm>>, %arg3: memref<18440xi32, #tpu.memory_space<hbm>>, %arg4: memref<32xf32, #tpu.memory_space<hbm>>, %arg5: memref<32x2x128xf32, #tpu.memory_space<hbm>>, %arg6: memref<13312xi32, #tpu.memory_space<vmem>>, %arg7: memref<18440xi32, #tpu.memory_space<vmem>>, %arg8: memref<32xf32, #tpu.memory_space<vmem>>, %arg9: memref<2x128xf32, #tpu.memory_space<vmem>>) attributes {dimension_semantics = [#tpu.dimension_semantics<core_parallel>, #tpu.dimension_semantics<subcore_parallel>], iteration_bounds = array<i64: 2, 16>, scalar_prefetch = 0 : i64, scratch_operands = 4 : i64, tpu.core_type = #tpu.core_type<sc_vector_subcore>, window_params = [{transform_indices = #map}, {transform_indices = #map}, {transform_indices = #map}, {transform_indices = #map1}]} {
    %mul3A = arith.constant 2 : i32
    %mul3A_0 = arith.muli %arg1, %mul3A : i32
    %add3A = arith.addi %mul3A_0, %arg0 : i32
    %mul3A_1 = arith.constant 13312 : i32
    %mul3A_2 = arith.muli %add3A, %mul3A_1 : i32
    "tpu.region"() ({
      %run_scoped3A = tpu.sem_alloc : memref<!tpu.dma_semaphore, #tpu.memory_space<semaphore_mem>>
      %dma_start3A = tpu.memref_slice %arg2[%mul3A_2] : memref<425984xi32, #tpu.memory_space<hbm>> -> memref<13312xi32, #tpu.memory_space<hbm>>
      %dma_start3A_93 = tpu.memref_slice %arg2[%mul3A_2] : memref<425984xi32, #tpu.memory_space<hbm>> -> memref<13312xi32, #tpu.memory_space<hbm>>
      tpu.enqueue_dma source(%dma_start3A_93 : memref<13312xi32, #tpu.memory_space<hbm>>) target(%arg6 : memref<13312xi32, #tpu.memory_space<vmem>>) target_semaphore(%run_scoped3A : memref<!tpu.dma_semaphore, #tpu.memory_space<semaphore_mem>>)
      %dma_wait3A = tpu.memref_slice %arg2[%mul3A_2] : memref<425984xi32, #tpu.memory_space<hbm>> -> memref<13312xi32, #tpu.memory_space<hbm>>
      %dma_wait3A_94 = tpu.memref_slice %arg2[%mul3A_2] : memref<425984xi32, #tpu.memory_space<hbm>> -> memref<13312xi32, #tpu.memory_space<hbm>>
      tpu.wait_dma2 semaphore(%run_scoped3A : memref<!tpu.dma_semaphore, #tpu.memory_space<semaphore_mem>>) src(%dma_wait3A_94 : memref<13312xi32, #tpu.memory_space<hbm>>) dst(%arg6 : memref<13312xi32, #tpu.memory_space<vmem>>)
      tpu.yield
    }) : () -> ()
    "tpu.region"() ({
      %run_scoped3A = tpu.sem_alloc : memref<!tpu.dma_semaphore, #tpu.memory_space<semaphore_mem>>
      tpu.enqueue_dma source(%arg3 : memref<18440xi32, #tpu.memory_space<hbm>>) target(%arg7 : memref<18440xi32, #tpu.memory_space<vmem>>) target_semaphore(%run_scoped3A : memref<!tpu.dma_semaphore, #tpu.memory_space<semaphore_mem>>)
      tpu.wait_dma2 semaphore(%run_scoped3A : memref<!tpu.dma_semaphore, #tpu.memory_space<semaphore_mem>>) src(%arg3 : memref<18440xi32, #tpu.memory_space<hbm>>) dst(%arg7 : memref<18440xi32, #tpu.memory_space<vmem>>)
      tpu.yield
    }) : () -> ()
    "tpu.region"() ({
      %run_scoped3A = tpu.sem_alloc : memref<!tpu.dma_semaphore, #tpu.memory_space<semaphore_mem>>
      tpu.enqueue_dma source(%arg4 : memref<32xf32, #tpu.memory_space<hbm>>) target(%arg8 : memref<32xf32, #tpu.memory_space<vmem>>) target_semaphore(%run_scoped3A : memref<!tpu.dma_semaphore, #tpu.memory_space<semaphore_mem>>)
      tpu.wait_dma2 semaphore(%run_scoped3A : memref<!tpu.dma_semaphore, #tpu.memory_space<semaphore_mem>>) src(%arg4 : memref<32xf32, #tpu.memory_space<hbm>>) dst(%arg8 : memref<32xf32, #tpu.memory_space<vmem>>)
      tpu.yield
    }) : () -> ()
    %get3A = arith.constant 0 : index
    %get3A_3 = tpu.vector_load %arg8[%get3A] {strides = array<i32>} : memref<32xf32, #tpu.memory_space<vmem>>, vector<16xf32>,
    %get3A_4 = arith.constant 16 : index
    %get3A_5 = tpu.vector_load %arg8[%get3A_4] {strides = array<i32>} : memref<32xf32, #tpu.memory_space<vmem>>, vector<16xf32>,
    %broadcast_in_dim3A = arith.constant 65535 : i32
    %broadcast_in_dim3A_6 = vector.broadcast %broadcast_in_dim3A : i32 to vector<16xi32>
    %broadcast_in_dim3A_7 = arith.constant -65536 : i32
    %broadcast_in_dim3A_8 = vector.broadcast %broadcast_in_dim3A_7 : i32 to vector<16xi32>
    %broadcast_in_dim3A_9 = arith.constant 0.000000e+00 : f32
    %broadcast_in_dim3A_10 = vector.broadcast %broadcast_in_dim3A_9 : f32 to vector<16xf32>
    %parallel_loop3A = arith.constant 0 : i32
    %parallel_loop3A_11 = arith.constant 100 : i32
    %parallel_loop3A_12 = arith.constant 1 : i32
    %parallel_loop3A_13:16 = scf.for %parallel_loop3A_93 = %parallel_loop3A to %parallel_loop3A_11 step %parallel_loop3A_12 iter_args(%parallel_loop3A_94 = %broadcast_in_dim3A_10, %parallel_loop3A_95 = %broadcast_in_dim3A_10, %parallel_loop3A_96 = %broadcast_in_dim3A_10, %parallel_loop3A_97 = %broadcast_in_dim3A_10, %parallel_loop3A_98 = %broadcast_in_dim3A_10, %parallel_loop3A_99 = %broadcast_in_dim3A_10, %parallel_loop3A_100 = %broadcast_in_dim3A_10, %parallel_loop3A_101 = %broadcast_in_dim3A_10, %parallel_loop3A_102 = %broadcast_in_dim3A_10, %parallel_loop3A_103 = %broadcast_in_dim3A_10, %parallel_loop3A_104 = %broadcast_in_dim3A_10, %parallel_loop3A_105 = %broadcast_in_dim3A_10, %parallel_loop3A_106 = %broadcast_in_dim3A_10, %parallel_loop3A_107 = %broadcast_in_dim3A_10, %parallel_loop3A_108 = %broadcast_in_dim3A_10, %parallel_loop3A_109 = %broadcast_in_dim3A_10) -> (vector<16xf32>, vector<16xf32>, vector<16xf32>, vector<16xf32>, vector<16xf32>, vector<16xf32>, vector<16xf32>, vector<16xf32>, vector<16xf32>, vector<16xf32>, vector<16xf32>, vector<16xf32>, vector<16xf32>, vector<16xf32>, vector<16xf32>, vector<16xf32>)  : i32 {
      %parallel_loop3A_110 = arith.constant 128 : i32
      %parallel_loop3A_111 = arith.muli %parallel_loop3A_93, %parallel_loop3A_110 : i32
      %parallel_loop3A_112 = arith.constant 0 : i32
      %parallel_loop3A_113 = arith.addi %parallel_loop3A_111, %parallel_loop3A_112 : i32
      %parallel_loop3A_114 = arith.index_cast %parallel_loop3A_113 : i32 to index
      %parallel_loop3A_115 = tpu.vector_load %arg6[%parallel_loop3A_114] {strides = array<i32>} : memref<13312xi32, #tpu.memory_space<vmem>>, vector<16xi32>,
      %parallel_loop3A_116 = arith.andi %parallel_loop3A_115, %broadcast_in_dim3A_6 : vector<16xi32>
      %parallel_loop3A_117 = arith.constant 16 : i32
      %parallel_loop3A_118 = vector.broadcast %parallel_loop3A_117 : i32 to vector<16xi32>
      %parallel_loop3A_119 = arith.shrui %parallel_loop3A_115, %parallel_loop3A_118 : vector<16xi32>
      %parallel_loop3A_120 = tpu.vector_load_idx %arg7[%parallel_loop3A_116] : memref<18440xi32, #tpu.memory_space<vmem>>[vector<16xi32>], vector<16xi32>,
      %parallel_loop3A_121 = tpu.vector_load_idx %arg7[%parallel_loop3A_119] : memref<18440xi32, #tpu.memory_space<vmem>>[vector<16xi32>], vector<16xi32>,
      %parallel_loop3A_122 = arith.constant 16 : i32
      %parallel_loop3A_123 = vector.broadcast %parallel_loop3A_122 : i32 to vector<16xi32>
      %parallel_loop3A_124 = arith.shli %parallel_loop3A_120, %parallel_loop3A_123 : vector<16xi32>
      %parallel_loop3A_125 = tpu.bitcast %parallel_loop3A_124 : vector<16xi32> -> vector<16xf32>
      %parallel_loop3A_126 = arith.andi %parallel_loop3A_120, %broadcast_in_dim3A_8 : vector<16xi32>
      %parallel_loop3A_127 = tpu.bitcast %parallel_loop3A_126 : vector<16xi32> -> vector<16xf32>
      %parallel_loop3A_128 = arith.constant 16 : i32
      %parallel_loop3A_129 = vector.broadcast %parallel_loop3A_128 : i32 to vector<16xi32>
      %parallel_loop3A_130 = arith.shli %parallel_loop3A_121, %parallel_loop3A_129 : vector<16xi32>
      %parallel_loop3A_131 = tpu.bitcast %parallel_loop3A_130 : vector<16xi32> -> vector<16xf32>
      %parallel_loop3A_132 = arith.andi %parallel_loop3A_121, %broadcast_in_dim3A_8 : vector<16xi32>
      %parallel_loop3A_133 = tpu.bitcast %parallel_loop3A_132 : vector<16xi32> -> vector<16xf32>
      %parallel_loop3A_134 = arith.addf %parallel_loop3A_125, %parallel_loop3A_131 : vector<16xf32>
      %parallel_loop3A_135 = arith.addf %parallel_loop3A_94, %parallel_loop3A_134 : vector<16xf32>
      %parallel_loop3A_136 = arith.addf %parallel_loop3A_127, %parallel_loop3A_133 : vector<16xf32>
      %parallel_loop3A_137 = arith.addf %parallel_loop3A_95, %parallel_loop3A_136 : vector<16xf32>
      %parallel_loop3A_138 = arith.constant 128 : i32
      %parallel_loop3A_139 = arith.muli %parallel_loop3A_93, %parallel_loop3A_138 : i32
      %parallel_loop3A_140 = arith.constant 16 : i32
      %parallel_loop3A_141 = arith.addi %parallel_loop3A_139, %parallel_loop3A_140 : i32
      %parallel_loop3A_142 = arith.index_cast %parallel_loop3A_141 : i32 to index
      %parallel_loop3A_143 = tpu.vector_load %arg6[%parallel_loop3A_142] {strides = array<i32>} : memref<13312xi32, #tpu.memory_space<vmem>>, vector<16xi32>,
      %parallel_loop3A_144 = arith.andi %parallel_loop3A_143, %broadcast_in_dim3A_6 : vector<16xi32>
      %parallel_loop3A_145 = arith.constant 16 : i32
      %parallel_loop3A_146 = vector.broadcast %parallel_loop3A_145 : i32 to vector<16xi32>
      %parallel_loop3A_147 = arith.shrui %parallel_loop3A_143, %parallel_loop3A_146 : vector<16xi32>
      %parallel_loop3A_148 = tpu.vector_load_idx %arg7[%parallel_loop3A_144] : memref<18440xi32, #tpu.memory_space<vmem>>[vector<16xi32>], vector<16xi32>,
      %parallel_loop3A_149 = tpu.vector_load_idx %arg7[%parallel_loop3A_147] : memref<18440xi32, #tpu.memory_space<vmem>>[vector<16xi32>], vector<16xi32>,
      %parallel_loop3A_150 = arith.constant 16 : i32
      %parallel_loop3A_151 = vector.broadcast %parallel_loop3A_150 : i32 to vector<16xi32>
      %parallel_loop3A_152 = arith.shli %parallel_loop3A_148, %parallel_loop3A_151 : vector<16xi32>
      %parallel_loop3A_153 = tpu.bitcast %parallel_loop3A_152 : vector<16xi32> -> vector<16xf32>
      %parallel_loop3A_154 = arith.andi %parallel_loop3A_148, %broadcast_in_dim3A_8 : vector<16xi32>
      %parallel_loop3A_155 = tpu.bitcast %parallel_loop3A_154 : vector<16xi32> -> vector<16xf32>
      %parallel_loop3A_156 = arith.constant 16 : i32
      %parallel_loop3A_157 = vector.broadcast %parallel_loop3A_156 : i32 to vector<16xi32>
      %parallel_loop3A_158 = arith.shli %parallel_loop3A_149, %parallel_loop3A_157 : vector<16xi32>
      %parallel_loop3A_159 = tpu.bitcast %parallel_loop3A_158 : vector<16xi32> -> vector<16xf32>
      %parallel_loop3A_160 = arith.andi %parallel_loop3A_149, %broadcast_in_dim3A_8 : vector<16xi32>
      %parallel_loop3A_161 = tpu.bitcast %parallel_loop3A_160 : vector<16xi32> -> vector<16xf32>
      %parallel_loop3A_162 = arith.addf %parallel_loop3A_153, %parallel_loop3A_159 : vector<16xf32>
      %parallel_loop3A_163 = arith.addf %parallel_loop3A_96, %parallel_loop3A_162 : vector<16xf32>
      %parallel_loop3A_164 = arith.addf %parallel_loop3A_155, %parallel_loop3A_161 : vector<16xf32>
      %parallel_loop3A_165 = arith.addf %parallel_loop3A_97, %parallel_loop3A_164 : vector<16xf32>
      %parallel_loop3A_166 = arith.constant 128 : i32
      %parallel_loop3A_167 = arith.muli %parallel_loop3A_93, %parallel_loop3A_166 : i32
      %parallel_loop3A_168 = arith.constant 32 : i32
      %parallel_loop3A_169 = arith.addi %parallel_loop3A_167, %parallel_loop3A_168 : i32
      %parallel_loop3A_170 = arith.index_cast %parallel_loop3A_169 : i32 to index
      %parallel_loop3A_171 = tpu.vector_load %arg6[%parallel_loop3A_170] {strides = array<i32>} : memref<13312xi32, #tpu.memory_space<vmem>>, vector<16xi32>,
      %parallel_loop3A_172 = arith.andi %parallel_loop3A_171, %broadcast_in_dim3A_6 : vector<16xi32>
      %parallel_loop3A_173 = arith.constant 16 : i32
      %parallel_loop3A_174 = vector.broadcast %parallel_loop3A_173 : i32 to vector<16xi32>
      %parallel_loop3A_175 = arith.shrui %parallel_loop3A_171, %parallel_loop3A_174 : vector<16xi32>
      %parallel_loop3A_176 = tpu.vector_load_idx %arg7[%parallel_loop3A_172] : memref<18440xi32, #tpu.memory_space<vmem>>[vector<16xi32>], vector<16xi32>,
      %parallel_loop3A_177 = tpu.vector_load_idx %arg7[%parallel_loop3A_175] : memref<18440xi32, #tpu.memory_space<vmem>>[vector<16xi32>], vector<16xi32>,
      %parallel_loop3A_178 = arith.constant 16 : i32
      %parallel_loop3A_179 = vector.broadcast %parallel_loop3A_178 : i32 to vector<16xi32>
      %parallel_loop3A_180 = arith.shli %parallel_loop3A_176, %parallel_loop3A_179 : vector<16xi32>
      %parallel_loop3A_181 = tpu.bitcast %parallel_loop3A_180 : vector<16xi32> -> vector<16xf32>
      %parallel_loop3A_182 = arith.andi %parallel_loop3A_176, %broadcast_in_dim3A_8 : vector<16xi32>
      %parallel_loop3A_183 = tpu.bitcast %parallel_loop3A_182 : vector<16xi32> -> vector<16xf32>
      %parallel_loop3A_184 = arith.constant 16 : i32
      %parallel_loop3A_185 = vector.broadcast %parallel_loop3A_184 : i32 to vector<16xi32>
      %parallel_loop3A_186 = arith.shli %parallel_loop3A_177, %parallel_loop3A_185 : vector<16xi32>
      %parallel_loop3A_187 = tpu.bitcast %parallel_loop3A_186 : vector<16xi32> -> vector<16xf32>
      %parallel_loop3A_188 = arith.andi %parallel_loop3A_177, %broadcast_in_dim3A_8 : vector<16xi32>
      %parallel_loop3A_189 = tpu.bitcast %parallel_loop3A_188 : vector<16xi32> -> vector<16xf32>
      %parallel_loop3A_190 = arith.addf %parallel_loop3A_181, %parallel_loop3A_187 : vector<16xf32>
      %parallel_loop3A_191 = arith.addf %parallel_loop3A_98, %parallel_loop3A_190 : vector<16xf32>
      %parallel_loop3A_192 = arith.addf %parallel_loop3A_183, %parallel_loop3A_189 : vector<16xf32>
      %parallel_loop3A_193 = arith.addf %parallel_loop3A_99, %parallel_loop3A_192 : vector<16xf32>
      %parallel_loop3A_194 = arith.constant 128 : i32
      %parallel_loop3A_195 = arith.muli %parallel_loop3A_93, %parallel_loop3A_194 : i32
      %parallel_loop3A_196 = arith.constant 48 : i32
      %parallel_loop3A_197 = arith.addi %parallel_loop3A_195, %parallel_loop3A_196 : i32
      %parallel_loop3A_198 = arith.index_cast %parallel_loop3A_197 : i32 to index
      %parallel_loop3A_199 = tpu.vector_load %arg6[%parallel_loop3A_198] {strides = array<i32>} : memref<13312xi32, #tpu.memory_space<vmem>>, vector<16xi32>,
      %parallel_loop3A_200 = arith.andi %parallel_loop3A_199, %broadcast_in_dim3A_6 : vector<16xi32>
      %parallel_loop3A_201 = arith.constant 16 : i32
      %parallel_loop3A_202 = vector.broadcast %parallel_loop3A_201 : i32 to vector<16xi32>
      %parallel_loop3A_203 = arith.shrui %parallel_loop3A_199, %parallel_loop3A_202 : vector<16xi32>
      %parallel_loop3A_204 = tpu.vector_load_idx %arg7[%parallel_loop3A_200] : memref<18440xi32, #tpu.memory_space<vmem>>[vector<16xi32>], vector<16xi32>,
      %parallel_loop3A_205 = tpu.vector_load_idx %arg7[%parallel_loop3A_203] : memref<18440xi32, #tpu.memory_space<vmem>>[vector<16xi32>], vector<16xi32>,
      %parallel_loop3A_206 = arith.constant 16 : i32
      %parallel_loop3A_207 = vector.broadcast %parallel_loop3A_206 : i32 to vector<16xi32>
      %parallel_loop3A_208 = arith.shli %parallel_loop3A_204, %parallel_loop3A_207 : vector<16xi32>
      %parallel_loop3A_209 = tpu.bitcast %parallel_loop3A_208 : vector<16xi32> -> vector<16xf32>
      %parallel_loop3A_210 = arith.andi %parallel_loop3A_204, %broadcast_in_dim3A_8 : vector<16xi32>
      %parallel_loop3A_211 = tpu.bitcast %parallel_loop3A_210 : vector<16xi32> -> vector<16xf32>
      %parallel_loop3A_212 = arith.constant 16 : i32
      %parallel_loop3A_213 = vector.broadcast %parallel_loop3A_212 : i32 to vector<16xi32>
      %parallel_loop3A_214 = arith.shli %parallel_loop3A_205, %parallel_loop3A_213 : vector<16xi32>
      %parallel_loop3A_215 = tpu.bitcast %parallel_loop3A_214 : vector<16xi32> -> vector<16xf32>
      %parallel_loop3A_216 = arith.andi %parallel_loop3A_205, %broadcast_in_dim3A_8 : vector<16xi32>
      %parallel_loop3A_217 = tpu.bitcast %parallel_loop3A_216 : vector<16xi32> -> vector<16xf32>
      %parallel_loop3A_218 = arith.addf %parallel_loop3A_209, %parallel_loop3A_215 : vector<16xf32>
      %parallel_loop3A_219 = arith.addf %parallel_loop3A_100, %parallel_loop3A_218 : vector<16xf32>
      %parallel_loop3A_220 = arith.addf %parallel_loop3A_211, %parallel_loop3A_217 : vector<16xf32>
      %parallel_loop3A_221 = arith.addf %parallel_loop3A_101, %parallel_loop3A_220 : vector<16xf32>
      %parallel_loop3A_222 = arith.constant 128 : i32
      %parallel_loop3A_223 = arith.muli %parallel_loop3A_93, %parallel_loop3A_222 : i32
      %parallel_loop3A_224 = arith.constant 64 : i32
      %parallel_loop3A_225 = arith.addi %parallel_loop3A_223, %parallel_loop3A_224 : i32
      %parallel_loop3A_226 = arith.index_cast %parallel_loop3A_225 : i32 to index
      %parallel_loop3A_227 = tpu.vector_load %arg6[%parallel_loop3A_226] {strides = array<i32>} : memref<13312xi32, #tpu.memory_space<vmem>>, vector<16xi32>,
      %parallel_loop3A_228 = arith.andi %parallel_loop3A_227, %broadcast_in_dim3A_6 : vector<16xi32>
      %parallel_loop3A_229 = arith.constant 16 : i32
      %parallel_loop3A_230 = vector.broadcast %parallel_loop3A_229 : i32 to vector<16xi32>
      %parallel_loop3A_231 = arith.shrui %parallel_loop3A_227, %parallel_loop3A_230 : vector<16xi32>
      %parallel_loop3A_232 = tpu.vector_load_idx %arg7[%parallel_loop3A_228] : memref<18440xi32, #tpu.memory_space<vmem>>[vector<16xi32>], vector<16xi32>,
      %parallel_loop3A_233 = tpu.vector_load_idx %arg7[%parallel_loop3A_231] : memref<18440xi32, #tpu.memory_space<vmem>>[vector<16xi32>], vector<16xi32>,
      %parallel_loop3A_234 = arith.constant 16 : i32
      %parallel_loop3A_235 = vector.broadcast %parallel_loop3A_234 : i32 to vector<16xi32>
      %parallel_loop3A_236 = arith.shli %parallel_loop3A_232, %parallel_loop3A_235 : vector<16xi32>
      %parallel_loop3A_237 = tpu.bitcast %parallel_loop3A_236 : vector<16xi32> -> vector<16xf32>
      %parallel_loop3A_238 = arith.andi %parallel_loop3A_232, %broadcast_in_dim3A_8 : vector<16xi32>
      %parallel_loop3A_239 = tpu.bitcast %parallel_loop3A_238 : vector<16xi32> -> vector<16xf32>
      %parallel_loop3A_240 = arith.constant 16 : i32
      %parallel_loop3A_241 = vector.broadcast %parallel_loop3A_240 : i32 to vector<16xi32>
      %parallel_loop3A_242 = arith.shli %parallel_loop3A_233, %parallel_loop3A_241 : vector<16xi32>
      %parallel_loop3A_243 = tpu.bitcast %parallel_loop3A_242 : vector<16xi32> -> vector<16xf32>
      %parallel_loop3A_244 = arith.andi %parallel_loop3A_233, %broadcast_in_dim3A_8 : vector<16xi32>
      %parallel_loop3A_245 = tpu.bitcast %parallel_loop3A_244 : vector<16xi32> -> vector<16xf32>
      %parallel_loop3A_246 = arith.addf %parallel_loop3A_237, %parallel_loop3A_243 : vector<16xf32>
      %parallel_loop3A_247 = arith.addf %parallel_loop3A_102, %parallel_loop3A_246 : vector<16xf32>
      %parallel_loop3A_248 = arith.addf %parallel_loop3A_239, %parallel_loop3A_245 : vector<16xf32>
      %parallel_loop3A_249 = arith.addf %parallel_loop3A_103, %parallel_loop3A_248 : vector<16xf32>
      %parallel_loop3A_250 = arith.constant 128 : i32
      %parallel_loop3A_251 = arith.muli %parallel_loop3A_93, %parallel_loop3A_250 : i32
      %parallel_loop3A_252 = arith.constant 80 : i32
      %parallel_loop3A_253 = arith.addi %parallel_loop3A_251, %parallel_loop3A_252 : i32
      %parallel_loop3A_254 = arith.index_cast %parallel_loop3A_253 : i32 to index
      %parallel_loop3A_255 = tpu.vector_load %arg6[%parallel_loop3A_254] {strides = array<i32>} : memref<13312xi32, #tpu.memory_space<vmem>>, vector<16xi32>,
      %parallel_loop3A_256 = arith.andi %parallel_loop3A_255, %broadcast_in_dim3A_6 : vector<16xi32>
      %parallel_loop3A_257 = arith.constant 16 : i32
      %parallel_loop3A_258 = vector.broadcast %parallel_loop3A_257 : i32 to vector<16xi32>
      %parallel_loop3A_259 = arith.shrui %parallel_loop3A_255, %parallel_loop3A_258 : vector<16xi32>
      %parallel_loop3A_260 = tpu.vector_load_idx %arg7[%parallel_loop3A_256] : memref<18440xi32, #tpu.memory_space<vmem>>[vector<16xi32>], vector<16xi32>,
      %parallel_loop3A_261 = tpu.vector_load_idx %arg7[%parallel_loop3A_259] : memref<18440xi32, #tpu.memory_space<vmem>>[vector<16xi32>], vector<16xi32>,
      %parallel_loop3A_262 = arith.constant 16 : i32
      %parallel_loop3A_263 = vector.broadcast %parallel_loop3A_262 : i32 to vector<16xi32>
      %parallel_loop3A_264 = arith.shli %parallel_loop3A_260, %parallel_loop3A_263 : vector<16xi32>
      %parallel_loop3A_265 = tpu.bitcast %parallel_loop3A_264 : vector<16xi32> -> vector<16xf32>
      %parallel_loop3A_266 = arith.andi %parallel_loop3A_260, %broadcast_in_dim3A_8 : vector<16xi32>
      %parallel_loop3A_267 = tpu.bitcast %parallel_loop3A_266 : vector<16xi32> -> vector<16xf32>
      %parallel_loop3A_268 = arith.constant 16 : i32
      %parallel_loop3A_269 = vector.broadcast %parallel_loop3A_268 : i32 to vector<16xi32>
      %parallel_loop3A_270 = arith.shli %parallel_loop3A_261, %parallel_loop3A_269 : vector<16xi32>
      %parallel_loop3A_271 = tpu.bitcast %parallel_loop3A_270 : vector<16xi32> -> vector<16xf32>
      %parallel_loop3A_272 = arith.andi %parallel_loop3A_261, %broadcast_in_dim3A_8 : vector<16xi32>
      %parallel_loop3A_273 = tpu.bitcast %parallel_loop3A_272 : vector<16xi32> -> vector<16xf32>
      %parallel_loop3A_274 = arith.addf %parallel_loop3A_265, %parallel_loop3A_271 : vector<16xf32>
      %parallel_loop3A_275 = arith.addf %parallel_loop3A_104, %parallel_loop3A_274 : vector<16xf32>
      %parallel_loop3A_276 = arith.addf %parallel_loop3A_267, %parallel_loop3A_273 : vector<16xf32>
      %parallel_loop3A_277 = arith.addf %parallel_loop3A_105, %parallel_loop3A_276 : vector<16xf32>
      %parallel_loop3A_278 = arith.constant 128 : i32
      %parallel_loop3A_279 = arith.muli %parallel_loop3A_93, %parallel_loop3A_278 : i32
      %parallel_loop3A_280 = arith.constant 96 : i32
      %parallel_loop3A_281 = arith.addi %parallel_loop3A_279, %parallel_loop3A_280 : i32
      %parallel_loop3A_282 = arith.index_cast %parallel_loop3A_281 : i32 to index
      %parallel_loop3A_283 = tpu.vector_load %arg6[%parallel_loop3A_282] {strides = array<i32>} : memref<13312xi32, #tpu.memory_space<vmem>>, vector<16xi32>,
      %parallel_loop3A_284 = arith.andi %parallel_loop3A_283, %broadcast_in_dim3A_6 : vector<16xi32>
      %parallel_loop3A_285 = arith.constant 16 : i32
      %parallel_loop3A_286 = vector.broadcast %parallel_loop3A_285 : i32 to vector<16xi32>
      %parallel_loop3A_287 = arith.shrui %parallel_loop3A_283, %parallel_loop3A_286 : vector<16xi32>
      %parallel_loop3A_288 = tpu.vector_load_idx %arg7[%parallel_loop3A_284] : memref<18440xi32, #tpu.memory_space<vmem>>[vector<16xi32>], vector<16xi32>,
      %parallel_loop3A_289 = tpu.vector_load_idx %arg7[%parallel_loop3A_287] : memref<18440xi32, #tpu.memory_space<vmem>>[vector<16xi32>], vector<16xi32>,
      %parallel_loop3A_290 = arith.constant 16 : i32
      %parallel_loop3A_291 = vector.broadcast %parallel_loop3A_290 : i32 to vector<16xi32>
      %parallel_loop3A_292 = arith.shli %parallel_loop3A_288, %parallel_loop3A_291 : vector<16xi32>
      %parallel_loop3A_293 = tpu.bitcast %parallel_loop3A_292 : vector<16xi32> -> vector<16xf32>
      %parallel_loop3A_294 = arith.andi %parallel_loop3A_288, %broadcast_in_dim3A_8 : vector<16xi32>
      %parallel_loop3A_295 = tpu.bitcast %parallel_loop3A_294 : vector<16xi32> -> vector<16xf32>
      %parallel_loop3A_296 = arith.constant 16 : i32
      %parallel_loop3A_297 = vector.broadcast %parallel_loop3A_296 : i32 to vector<16xi32>
      %parallel_loop3A_298 = arith.shli %parallel_loop3A_289, %parallel_loop3A_297 : vector<16xi32>
      %parallel_loop3A_299 = tpu.bitcast %parallel_loop3A_298 : vector<16xi32> -> vector<16xf32>
      %parallel_loop3A_300 = arith.andi %parallel_loop3A_289, %broadcast_in_dim3A_8 : vector<16xi32>
      %parallel_loop3A_301 = tpu.bitcast %parallel_loop3A_300 : vector<16xi32> -> vector<16xf32>
      %parallel_loop3A_302 = arith.addf %parallel_loop3A_293, %parallel_loop3A_299 : vector<16xf32>
      %parallel_loop3A_303 = arith.addf %parallel_loop3A_106, %parallel_loop3A_302 : vector<16xf32>
      %parallel_loop3A_304 = arith.addf %parallel_loop3A_295, %parallel_loop3A_301 : vector<16xf32>
      %parallel_loop3A_305 = arith.addf %parallel_loop3A_107, %parallel_loop3A_304 : vector<16xf32>
      %parallel_loop3A_306 = arith.constant 128 : i32
      %parallel_loop3A_307 = arith.muli %parallel_loop3A_93, %parallel_loop3A_306 : i32
      %parallel_loop3A_308 = arith.constant 112 : i32
      %parallel_loop3A_309 = arith.addi %parallel_loop3A_307, %parallel_loop3A_308 : i32
      %parallel_loop3A_310 = arith.index_cast %parallel_loop3A_309 : i32 to index
      %parallel_loop3A_311 = tpu.vector_load %arg6[%parallel_loop3A_310] {strides = array<i32>} : memref<13312xi32, #tpu.memory_space<vmem>>, vector<16xi32>,
      %parallel_loop3A_312 = arith.andi %parallel_loop3A_311, %broadcast_in_dim3A_6 : vector<16xi32>
      %parallel_loop3A_313 = arith.constant 16 : i32
      %parallel_loop3A_314 = vector.broadcast %parallel_loop3A_313 : i32 to vector<16xi32>
      %parallel_loop3A_315 = arith.shrui %parallel_loop3A_311, %parallel_loop3A_314 : vector<16xi32>
      %parallel_loop3A_316 = tpu.vector_load_idx %arg7[%parallel_loop3A_312] : memref<18440xi32, #tpu.memory_space<vmem>>[vector<16xi32>], vector<16xi32>,
      %parallel_loop3A_317 = tpu.vector_load_idx %arg7[%parallel_loop3A_315] : memref<18440xi32, #tpu.memory_space<vmem>>[vector<16xi32>], vector<16xi32>,
      %parallel_loop3A_318 = arith.constant 16 : i32
      %parallel_loop3A_319 = vector.broadcast %parallel_loop3A_318 : i32 to vector<16xi32>
      %parallel_loop3A_320 = arith.shli %parallel_loop3A_316, %parallel_loop3A_319 : vector<16xi32>
      %parallel_loop3A_321 = tpu.bitcast %parallel_loop3A_320 : vector<16xi32> -> vector<16xf32>
      %parallel_loop3A_322 = arith.andi %parallel_loop3A_316, %broadcast_in_dim3A_8 : vector<16xi32>
      %parallel_loop3A_323 = tpu.bitcast %parallel_loop3A_322 : vector<16xi32> -> vector<16xf32>
      %parallel_loop3A_324 = arith.constant 16 : i32
      %parallel_loop3A_325 = vector.broadcast %parallel_loop3A_324 : i32 to vector<16xi32>
      %parallel_loop3A_326 = arith.shli %parallel_loop3A_317, %parallel_loop3A_325 : vector<16xi32>
      %parallel_loop3A_327 = tpu.bitcast %parallel_loop3A_326 : vector<16xi32> -> vector<16xf32>
      %parallel_loop3A_328 = arith.andi %parallel_loop3A_317, %broadcast_in_dim3A_8 : vector<16xi32>
      %parallel_loop3A_329 = tpu.bitcast %parallel_loop3A_328 : vector<16xi32> -> vector<16xf32>
      %parallel_loop3A_330 = arith.addf %parallel_loop3A_321, %parallel_loop3A_327 : vector<16xf32>
      %parallel_loop3A_331 = arith.addf %parallel_loop3A_108, %parallel_loop3A_330 : vector<16xf32>
      %parallel_loop3A_332 = arith.addf %parallel_loop3A_323, %parallel_loop3A_329 : vector<16xf32>
      %parallel_loop3A_333 = arith.addf %parallel_loop3A_109, %parallel_loop3A_332 : vector<16xf32>
      scf.yield %parallel_loop3A_135, %parallel_loop3A_137, %parallel_loop3A_163, %parallel_loop3A_165, %parallel_loop3A_191, %parallel_loop3A_193, %parallel_loop3A_219, %parallel_loop3A_221, %parallel_loop3A_247, %parallel_loop3A_249, %parallel_loop3A_275, %parallel_loop3A_277, %parallel_loop3A_303, %parallel_loop3A_305, %parallel_loop3A_331, %parallel_loop3A_333 : vector<16xf32>, vector<16xf32>, vector<16xf32>, vector<16xf32>, vector<16xf32>, vector<16xf32>, vector<16xf32>, vector<16xf32>, vector<16xf32>, vector<16xf32>, vector<16xf32>, vector<16xf32>, vector<16xf32>, vector<16xf32>, vector<16xf32>, vector<16xf32>
    } {sc.loop_unroll_factor = 1 : i64, sc.parallel_access}
    %add3A_14 = arith.addf %parallel_loop3A_13#0, %get3A_3 : vector<16xf32>
    %swap3A = arith.constant 0 : i32
    %swap3A_15 = arith.index_cast %swap3A : i32 to index
    %swap3A_16 = arith.constant 0 : index
    %swap3A_17 = tpu.vector_load %arg9[%swap3A_15, %swap3A_16] {strides = array<i32>} : memref<2x128xf32, #tpu.memory_space<vmem>>, vector<16xf32>,
    tpu.vector_store %arg9[%swap3A_15, %swap3A_16], %add3A_14 {strides = array<i32>} : memref<2x128xf32, #tpu.memory_space<vmem>>, vector<16xf32>,
    %add3A_18 = arith.addf %parallel_loop3A_13#1, %get3A_5 : vector<16xf32>
    %swap3A_19 = arith.constant 1 : i32
    %swap3A_20 = arith.index_cast %swap3A_19 : i32 to index
    %swap3A_21 = arith.constant 0 : index
    %swap3A_22 = tpu.vector_load %arg9[%swap3A_20, %swap3A_21] {strides = array<i32>} : memref<2x128xf32, #tpu.memory_space<vmem>>, vector<16xf32>,
    tpu.vector_store %arg9[%swap3A_20, %swap3A_21], %add3A_18 {strides = array<i32>} : memref<2x128xf32, #tpu.memory_space<vmem>>, vector<16xf32>,
    %add3A_23 = arith.addf %parallel_loop3A_13#2, %get3A_3 : vector<16xf32>
    %swap3A_24 = arith.constant 0 : i32
    %swap3A_25 = arith.index_cast %swap3A_24 : i32 to index
    %swap3A_26 = arith.constant 16 : index
    %swap3A_27 = tpu.vector_load %arg9[%swap3A_25, %swap3A_26] {strides = array<i32>} : memref<2x128xf32, #tpu.memory_space<vmem>>, vector<16xf32>,
    tpu.vector_store %arg9[%swap3A_25, %swap3A_26], %add3A_23 {strides = array<i32>} : memref<2x128xf32, #tpu.memory_space<vmem>>, vector<16xf32>,
    %add3A_28 = arith.addf %parallel_loop3A_13#3, %get3A_5 : vector<16xf32>
    %swap3A_29 = arith.constant 1 : i32
    %swap3A_30 = arith.index_cast %swap3A_29 : i32 to index
    %swap3A_31 = arith.constant 16 : index
    %swap3A_32 = tpu.vector_load %arg9[%swap3A_30, %swap3A_31] {strides = array<i32>} : memref<2x128xf32, #tpu.memory_space<vmem>>, vector<16xf32>,
    tpu.vector_store %arg9[%swap3A_30, %swap3A_31], %add3A_28 {strides = array<i32>} : memref<2x128xf32, #tpu.memory_space<vmem>>, vector<16xf32>,
    %add3A_33 = arith.addf %parallel_loop3A_13#4, %get3A_3 : vector<16xf32>
    %swap3A_34 = arith.constant 0 : i32
    %swap3A_35 = arith.index_cast %swap3A_34 : i32 to index
    %swap3A_36 = arith.constant 32 : index
    %swap3A_37 = tpu.vector_load %arg9[%swap3A_35, %swap3A_36] {strides = array<i32>} : memref<2x128xf32, #tpu.memory_space<vmem>>, vector<16xf32>,
    tpu.vector_store %arg9[%swap3A_35, %swap3A_36], %add3A_33 {strides = array<i32>} : memref<2x128xf32, #tpu.memory_space<vmem>>, vector<16xf32>,
    %add3A_38 = arith.addf %parallel_loop3A_13#5, %get3A_5 : vector<16xf32>
    %swap3A_39 = arith.constant 1 : i32
    %swap3A_40 = arith.index_cast %swap3A_39 : i32 to index
    %swap3A_41 = arith.constant 32 : index
    %swap3A_42 = tpu.vector_load %arg9[%swap3A_40, %swap3A_41] {strides = array<i32>} : memref<2x128xf32, #tpu.memory_space<vmem>>, vector<16xf32>,
    tpu.vector_store %arg9[%swap3A_40, %swap3A_41], %add3A_38 {strides = array<i32>} : memref<2x128xf32, #tpu.memory_space<vmem>>, vector<16xf32>,
    %add3A_43 = arith.addf %parallel_loop3A_13#6, %get3A_3 : vector<16xf32>
    %swap3A_44 = arith.constant 0 : i32
    %swap3A_45 = arith.index_cast %swap3A_44 : i32 to index
    %swap3A_46 = arith.constant 48 : index
    %swap3A_47 = tpu.vector_load %arg9[%swap3A_45, %swap3A_46] {strides = array<i32>} : memref<2x128xf32, #tpu.memory_space<vmem>>, vector<16xf32>,
    tpu.vector_store %arg9[%swap3A_45, %swap3A_46], %add3A_43 {strides = array<i32>} : memref<2x128xf32, #tpu.memory_space<vmem>>, vector<16xf32>,
    %add3A_48 = arith.addf %parallel_loop3A_13#7, %get3A_5 : vector<16xf32>
    %swap3A_49 = arith.constant 1 : i32
    %swap3A_50 = arith.index_cast %swap3A_49 : i32 to index
    %swap3A_51 = arith.constant 48 : index
    %swap3A_52 = tpu.vector_load %arg9[%swap3A_50, %swap3A_51] {strides = array<i32>} : memref<2x128xf32, #tpu.memory_space<vmem>>, vector<16xf32>,
    tpu.vector_store %arg9[%swap3A_50, %swap3A_51], %add3A_48 {strides = array<i32>} : memref<2x128xf32, #tpu.memory_space<vmem>>, vector<16xf32>,
    %add3A_53 = arith.addf %parallel_loop3A_13#8, %get3A_3 : vector<16xf32>
    %swap3A_54 = arith.constant 0 : i32
    %swap3A_55 = arith.index_cast %swap3A_54 : i32 to index
    %swap3A_56 = arith.constant 64 : index
    %swap3A_57 = tpu.vector_load %arg9[%swap3A_55, %swap3A_56] {strides = array<i32>} : memref<2x128xf32, #tpu.memory_space<vmem>>, vector<16xf32>,
    tpu.vector_store %arg9[%swap3A_55, %swap3A_56], %add3A_53 {strides = array<i32>} : memref<2x128xf32, #tpu.memory_space<vmem>>, vector<16xf32>,
    %add3A_58 = arith.addf %parallel_loop3A_13#9, %get3A_5 : vector<16xf32>
    %swap3A_59 = arith.constant 1 : i32
    %swap3A_60 = arith.index_cast %swap3A_59 : i32 to index
    %swap3A_61 = arith.constant 64 : index
    %swap3A_62 = tpu.vector_load %arg9[%swap3A_60, %swap3A_61] {strides = array<i32>} : memref<2x128xf32, #tpu.memory_space<vmem>>, vector<16xf32>,
    tpu.vector_store %arg9[%swap3A_60, %swap3A_61], %add3A_58 {strides = array<i32>} : memref<2x128xf32, #tpu.memory_space<vmem>>, vector<16xf32>,
    %add3A_63 = arith.addf %parallel_loop3A_13#10, %get3A_3 : vector<16xf32>
    %swap3A_64 = arith.constant 0 : i32
    %swap3A_65 = arith.index_cast %swap3A_64 : i32 to index
    %swap3A_66 = arith.constant 80 : index
    %swap3A_67 = tpu.vector_load %arg9[%swap3A_65, %swap3A_66] {strides = array<i32>} : memref<2x128xf32, #tpu.memory_space<vmem>>, vector<16xf32>,
    tpu.vector_store %arg9[%swap3A_65, %swap3A_66], %add3A_63 {strides = array<i32>} : memref<2x128xf32, #tpu.memory_space<vmem>>, vector<16xf32>,
    %add3A_68 = arith.addf %parallel_loop3A_13#11, %get3A_5 : vector<16xf32>
    %swap3A_69 = arith.constant 1 : i32
    %swap3A_70 = arith.index_cast %swap3A_69 : i32 to index
    %swap3A_71 = arith.constant 80 : index
    %swap3A_72 = tpu.vector_load %arg9[%swap3A_70, %swap3A_71] {strides = array<i32>} : memref<2x128xf32, #tpu.memory_space<vmem>>, vector<16xf32>,
    tpu.vector_store %arg9[%swap3A_70, %swap3A_71], %add3A_68 {strides = array<i32>} : memref<2x128xf32, #tpu.memory_space<vmem>>, vector<16xf32>,
    %add3A_73 = arith.addf %parallel_loop3A_13#12, %get3A_3 : vector<16xf32>
    %swap3A_74 = arith.constant 0 : i32
    %swap3A_75 = arith.index_cast %swap3A_74 : i32 to index
    %swap3A_76 = arith.constant 96 : index
    %swap3A_77 = tpu.vector_load %arg9[%swap3A_75, %swap3A_76] {strides = array<i32>} : memref<2x128xf32, #tpu.memory_space<vmem>>, vector<16xf32>,
    tpu.vector_store %arg9[%swap3A_75, %swap3A_76], %add3A_73 {strides = array<i32>} : memref<2x128xf32, #tpu.memory_space<vmem>>, vector<16xf32>,
    %add3A_78 = arith.addf %parallel_loop3A_13#13, %get3A_5 : vector<16xf32>
    %swap3A_79 = arith.constant 1 : i32
    %swap3A_80 = arith.index_cast %swap3A_79 : i32 to index
    %swap3A_81 = arith.constant 96 : index
    %swap3A_82 = tpu.vector_load %arg9[%swap3A_80, %swap3A_81] {strides = array<i32>} : memref<2x128xf32, #tpu.memory_space<vmem>>, vector<16xf32>,
    tpu.vector_store %arg9[%swap3A_80, %swap3A_81], %add3A_78 {strides = array<i32>} : memref<2x128xf32, #tpu.memory_space<vmem>>, vector<16xf32>,
    %add3A_83 = arith.addf %parallel_loop3A_13#14, %get3A_3 : vector<16xf32>
    %swap3A_84 = arith.constant 0 : i32
    %swap3A_85 = arith.index_cast %swap3A_84 : i32 to index
    %swap3A_86 = arith.constant 112 : index
    %swap3A_87 = tpu.vector_load %arg9[%swap3A_85, %swap3A_86] {strides = array<i32>} : memref<2x128xf32, #tpu.memory_space<vmem>>, vector<16xf32>,
    tpu.vector_store %arg9[%swap3A_85, %swap3A_86], %add3A_83 {strides = array<i32>} : memref<2x128xf32, #tpu.memory_space<vmem>>, vector<16xf32>,
    %add3A_88 = arith.addf %parallel_loop3A_13#15, %get3A_5 : vector<16xf32>
    %swap3A_89 = arith.constant 1 : i32
    %swap3A_90 = arith.index_cast %swap3A_89 : i32 to index
    %swap3A_91 = arith.constant 112 : index
    %swap3A_92 = tpu.vector_load %arg9[%swap3A_90, %swap3A_91] {strides = array<i32>} : memref<2x128xf32, #tpu.memory_space<vmem>>, vector<16xf32>,
    tpu.vector_store %arg9[%swap3A_90, %swap3A_91], %add3A_88 {strides = array<i32>} : memref<2x128xf32, #tpu.memory_space<vmem>>, vector<16xf32>,
    "tpu.region"() ({
      %run_scoped3A = tpu.sem_alloc : memref<!tpu.dma_semaphore, #tpu.memory_space<semaphore_mem>>
      %dma_start3A = arith.constant 0 : i32
      %dma_start3A_93 = arith.constant 0 : i32
      %dma_start3A_94 = tpu.memref_slice %arg5[%add3A, %dma_start3A, %dma_start3A_93] : memref<32x2x128xf32, #tpu.memory_space<hbm>> -> memref<1x2x128xf32, #tpu.memory_space<hbm>>
      %dma_start3A_95 = tpu.memref_squeeze %dma_start3A_94 : memref<1x2x128xf32, #tpu.memory_space<hbm>> -> memref<2x128xf32, #tpu.memory_space<hbm>>
      %dma_start3A_96 = arith.constant 0 : i32
      %dma_start3A_97 = arith.constant 0 : i32
      %dma_start3A_98 = tpu.memref_slice %arg5[%add3A, %dma_start3A_96, %dma_start3A_97] : memref<32x2x128xf32, #tpu.memory_space<hbm>> -> memref<1x2x128xf32, #tpu.memory_space<hbm>>
      %dma_start3A_99 = tpu.memref_squeeze %dma_start3A_98 : memref<1x2x128xf32, #tpu.memory_space<hbm>> -> memref<2x128xf32, #tpu.memory_space<hbm>>
      tpu.enqueue_dma source(%arg9 : memref<2x128xf32, #tpu.memory_space<vmem>>) target(%dma_start3A_99 : memref<2x128xf32, #tpu.memory_space<hbm>>) target_semaphore(%run_scoped3A : memref<!tpu.dma_semaphore, #tpu.memory_space<semaphore_mem>>)
      %dma_wait3A = arith.constant 0 : i32
      %dma_wait3A_100 = arith.constant 0 : i32
      %dma_wait3A_101 = tpu.memref_slice %arg5[%add3A, %dma_wait3A, %dma_wait3A_100] : memref<32x2x128xf32, #tpu.memory_space<hbm>> -> memref<1x2x128xf32, #tpu.memory_space<hbm>>
      %dma_wait3A_102 = tpu.memref_squeeze %dma_wait3A_101 : memref<1x2x128xf32, #tpu.memory_space<hbm>> -> memref<2x128xf32, #tpu.memory_space<hbm>>
      %dma_wait3A_103 = arith.constant 0 : i32
      %dma_wait3A_104 = arith.constant 0 : i32
      %dma_wait3A_105 = tpu.memref_slice %arg5[%add3A, %dma_wait3A_103, %dma_wait3A_104] : memref<32x2x128xf32, #tpu.memory_space<hbm>> -> memref<1x2x128xf32, #tpu.memory_space<hbm>>
      %dma_wait3A_106 = tpu.memref_squeeze %dma_wait3A_105 : memref<1x2x128xf32, #tpu.memory_space<hbm>> -> memref<2x128xf32, #tpu.memory_space<hbm>>
      tpu.wait_dma2 semaphore(%run_scoped3A : memref<!tpu.dma_semaphore, #tpu.memory_space<semaphore_mem>>) src(%arg9 : memref<2x128xf32, #tpu.memory_space<vmem>>) dst(%dma_wait3A_106 : memref<2x128xf32, #tpu.memory_space<hbm>>)
      tpu.yield
    }) : () -> ()
    return
  }
}

module attributes {stable_mosaic.version = 14 : i64} {
  func.func @_prep_body(%arg0: memref<100x2xf32, #tpu.memory_space<vmem>>, %arg1: memref<100x18440xf32, #tpu.memory_space<vmem>>, %arg2: memref<200x4096xi32, #tpu.memory_space<vmem>>, %arg3: memref<18440xi32, #tpu.memory_space<vmem>>, %arg4: memref<32x104x128xi32, #tpu.memory_space<vmem>>) attributes {dimension_semantics = [], scalar_prefetch = 0 : i64, scratch_operands = 0 : i64, tpu.core_type = #tpu.core_type<tc>} {
    %get3A = arith.constant 0 : index
    %get3A_0 = arith.constant 0 : index
    %get3A_1 = vector.load %arg0[%get3A, %get3A_0] : memref<100x2xf32, #tpu.memory_space<vmem>>, vector<100x2xf32>
    %get3A_2 = arith.constant 0 : index
    %get3A_3 = arith.constant 0 : index
    %get3A_4 = vector.load %arg1[%get3A_2, %get3A_3] : memref<100x18440xf32, #tpu.memory_space<vmem>>, vector<100x18440xf32>
    %dot_general3A = arith.constant dense<0.000000e+00> : vector<2x18440xf32>
    %dot_general3A_5 = tpu.matmul %get3A_1, %get3A_4, %dot_general3A {dimension_numbers = #tpu.dot_dimension_numbers<[0], [0], [1], [1], [0, 1, 1, 1], [], []>, transpose_lhs_hint = false} : vector<100x2xf32>, vector<100x18440xf32>, vector<2x18440xf32> -> vector<2x18440xf32>
    %mul3A = arith.constant 5.000000e-03 : f32
    %mul3A_6 = vector.broadcast %mul3A : f32 to vector<2x18440xf32>
    %mul3A_7 = arith.mulf %dot_general3A_5, %mul3A_6 : vector<2x18440xf32>
    %convert_element_type3A = arith.truncf %mul3A_7 : vector<2x18440xf32> to vector<2x18440xbf16>
    %bitcast_convert_type3A = tpu.bitcast %convert_element_type3A : vector<2x18440xbf16> -> vector<2x18440xi16>
    %slice3A = vector.extract_strided_slice %bitcast_convert_type3A {offsets = [0, 0], sizes = [1, 18440], strides = [1, 1]} : vector<2x18440xi16> to vector<1x18440xi16>
    %squeeze3A = vector.shape_cast %slice3A : vector<1x18440xi16> to vector<18440xi16>
    %convert_element_type3A_8 = arith.extui %squeeze3A : vector<18440xi16> to vector<18440xi32>
    %slice3A_9 = vector.extract_strided_slice %bitcast_convert_type3A {offsets = [1, 0], sizes = [1, 18440], strides = [1, 1]} : vector<2x18440xi16> to vector<1x18440xi16>
    %squeeze3A_10 = vector.shape_cast %slice3A_9 : vector<1x18440xi16> to vector<18440xi16>
    %convert_element_type3A_11 = arith.extui %squeeze3A_10 : vector<18440xi16> to vector<18440xi32>
    %mul3A_12 = arith.constant 65536 : i32
    %mul3A_13 = vector.broadcast %mul3A_12 : i32 to vector<18440xi32>
    %mul3A_14 = arith.muli %convert_element_type3A_11, %mul3A_13 : vector<18440xi32>
    %or3A = arith.ori %convert_element_type3A_8, %mul3A_14 : vector<18440xi32>
    %swap3A = arith.constant 0 : index
    %swap3A_15 = vector.load %arg3[%swap3A] : memref<18440xi32, #tpu.memory_space<vmem>>, vector<18440xi32>
    tpu.vector_store %arg3[%swap3A], %or3A {strides = array<i32>} : memref<18440xi32, #tpu.memory_space<vmem>>, vector<18440xi32>,
    %get3A_16 = arith.constant 0 : index
    %get3A_17 = arith.constant 0 : index
    %get3A_18 = vector.load %arg2[%get3A_16, %get3A_17] : memref<200x4096xi32, #tpu.memory_space<vmem>>, vector<200x4096xi32>
    %slice3A_19 = vector.extract_strided_slice %get3A_18 {offsets = [0, 0], sizes = [100, 4096], strides = [1, 1]} : vector<200x4096xi32> to vector<100x4096xi32>
    %slice3A_20 = vector.extract_strided_slice %get3A_18 {offsets = [100, 0], sizes = [100, 4096], strides = [1, 1]} : vector<200x4096xi32> to vector<100x4096xi32>
    %mul3A_21 = arith.constant 65536 : i32
    %mul3A_22 = vector.broadcast %mul3A_21 : i32 to vector<100x4096xi32>
    %mul3A_23 = arith.muli %slice3A_20, %mul3A_22 : vector<100x4096xi32>
    %or3A_24 = arith.ori %slice3A_19, %mul3A_23 : vector<100x4096xi32>
    %reshape3A = vector.shape_cast %or3A_24 : vector<100x4096xi32> to vector<100x32x128xi32>
    %transpose3A = tpu.transpose %reshape3A, [1, 0, 2] : vector<100x32x128xi32> -> vector<32x100x128xi32>
    %swap3A_25 = arith.constant 0 : index
    %swap3A_26 = arith.constant 0 : index
    %swap3A_27 = arith.constant 0 : index
    %swap3A_28 = vector.load %arg4[%swap3A_25, %swap3A_26, %swap3A_27] : memref<32x104x128xi32, #tpu.memory_space<vmem>>, vector<32x100x128xi32>
    tpu.vector_store %arg4[%swap3A_25, %swap3A_26, %swap3A_27], %transpose3A {strides = array<i32>} : memref<32x104x128xi32, #tpu.memory_space<vmem>>, vector<32x100x128xi32>,
    return
  }
}

</mosaic_0001>

<sc_bundles>
// kernel: kernel.4.cloned.1.call-start
scs
__scs_entry_jumppad:
0x0: {  	(pc) =	sbr.rel $0x88, $3  }
0x1: {  	(tag) =	ssettag $0x0;
	lr =	simm.s32 $0x1  }
0x2: {  	[smem:$0x3F9D] =	sst lr;
	_ =	strace $0xD0000000  }
0x3: {  	_ = 	snop  }
0x4: {  	_ = 	snop  }
0x5: {  	_ = 	snop  }
0x6: {  	_ = 	snop  }
0x7: {  	_ = 	snop  }
__scs_overlays_trampoline_lowered:
0x8: {  	[smem:$0x3FAC] =	sst s0  }
0x9: {  	[smem:$0x3FAD] =	sst s1  }
0xa: {  	[smem:$0x3FAE] =	sst s2  }
0xb: {  	[smem:$0x3FAF] =	sst s3  }
0xc: {  	[smem:$0x3FB0] =	sst s4  }
0xd: {  	[smem:$0x3FB1] =	sst s5  }
0xe: {  	[smem:$0x3FB2] =	sst s6  }
0xf: {  	[smem:$0x3FB3] =	sst s7  }
0x10: {  	[smem:$0x3FB4] =	sst s8  }
0x11: {  	[smem:$0x3FB5] =	sst s9;
	s0 =	simm.s32 @!p0 $0x0  }
0x12: {  	s1 =	sld [smem:$0x3F9B];
	s0 =	simm.s32 @p0 $0x1  }
0x13: {  	[smem:$0x3FB6] =	sst s0;
	s0 =	simm.s32 @!p1 $0x0  }
0x14: {  	s2 =	sld [smem:$0x3F9A];
	s0 =	simm.s32 @p1 $0x1  }
0x15: {  	[smem:$0x3FB7] =	sst s0;
	s0 =	simm.s32 @!p2 $0x0  }
0x16: {  	s3 =	sld [smem:$0x3FDB];
	s0 =	simm.s32 @p2 $0x1  }
0x17: {  	s4 =	simm.s32 $0x1BF5;
	[smem:$0x3FB9] =	sst s0  }
0x18: {  	s0 =	sld [smem:$0x3F9C];
	_ =	swait.ge [sflag:s4], $0x0  }
0x19: {  	s7 =	sld [smem:$0x3F9D]  }
0x1a: {  	s8 =	sadd.s32 $0xFFFFE003, lr  }
0x1b: {  	s9 =	sadd.s32 $0xFFFFFEF7, lr;
	s5 =	simm.s32 $0xFFFFFFFF;
	p2 =	slt.u32 s8, $0xFFFFF086  }
0x1c: {  	p1 =	slt.u32 s9, $0xF7A;
	s5 =	simm.s32 @!p2 $0x0  }
0x1d: {  	s5 =	simm.s32 @p1 $0x1;
	p0 =	seq.s32 s7, s2  }
0x1e: {  	s7 =	smul.u32 @!p0 $0xF7A, s2;
	p2 =	seq.s32 @!p0 s5, $0x0  }
0x1f: {  	s9 =	smul.u32 $0xF7A, s1;
	s8 =	simm.s32 @!p0 $0x1BF5;
	p2 =	por !p2, p0  }
0x20: {  	[sflag:s8] =	ssyncset.s32 @!p0 $0xFFFFF086;
	s6 =	sadd.s32 @!p0 s3, s7;
	s7 =	simm.s32 @!p0 $0x108  }
0x21: {  	s3 =	sadd.s32 s3, s9;
	s6 =	sadd.s32 @!p0 $0x88, s6;
	s7 =	simm.s32 @p2 $0x1082  }
0x22: {  	[simem:s7], [sflag:s8] =	dma.local @!p0 [hbm:s6], $0xF7A  }
0x23: {  	s9 =	sor.u32 $0xD0000000, s2;
	s6 =	simm.s32 $0x108;
	_ =	swait.ge @!p0 [sflag:s8], $0x0  }
0x24: {  	s3 =	sadd.s32 $0x88, s3;
	s6 =	simm.s32 @!p1 $0x1082;
	[sflag:s4] =	ssyncset.s32 $0xFFFFF086  }
0x25: {  	[simem:s6], [sflag:s4] =	dma.local [hbm:s3], $0xF7A  }
0x26: {  	[smem:$0x3F9D] =	sst s1;
	(tag) =	ssettag s2;
	_ =	strace s9  }
0x27: {  	s1 =	sld [smem:$0x3FAD]  }
0x28: {  	s2 =	sld [smem:$0x3FAE]  }
0x29: {  	s4 =	sld [smem:$0x3FB0]  }
0x2a: {  	p0 =	seq.s32 s5, $0x0;
	s5 =	sld [smem:$0x3FB1]  }
0x2b: {  	s6 =	sld [smem:$0x3FB2]  }
0x2c: {  	s7 =	sld [smem:$0x3FB3]  }
0x2d: {  	s3 =	simm.s32 $0x108;
	s8 =	sld [smem:$0x3FB4]  }
0x2e: {  	s3 =	simm.s32 @!p0 $0x1082;
	s9 =	sld [smem:$0x3FB5]  }
0x2f: {  	lr =	sadd.s32 s0, s3;
	s0 =	sld [smem:$0x3FAC]  }
0x30: {  	s3 =	sld [smem:$0x3FAF]  }
0x31: {  	[smem:$0x3FB8] =	sst s10  }
0x32: {  	s10 =	sld [smem:$0x3FB6];
	_ =	sdelay $0x3  }
0x33: {  	p0 =	seq.s32 s10, $0x1;
	s10 =	sld [smem:$0x3FB8];
	_ =	sdelay $0x3  }
0x34: {  	[smem:$0x3FB8] =	sst s10  }
0x35: {  	s10 =	sld [smem:$0x3FB7];
	_ =	sdelay $0x3  }
0x36: {  	p1 =	seq.s32 s10, $0x1;
	s10 =	sld [smem:$0x3FB8];
	_ =	sdelay $0x3  }
0x37: {  	[smem:$0x3FB8] =	sst s10  }
0x38: {  	s10 =	sld [smem:$0x3FB9]  }
0x39: {  	_ = 	snop;
	(pc) =	sbr.ind lr, $3  }
0x3a: {  	_ = 	snop  }
0x3b: {  	_ = 	snop  }
0x3c: {  	p2 =	seq.s32 s10, $0x1;
	s10 =	sld [smem:$0x3FB8]  }
0x3d: {  	_ =	shalt  }
0x3e: {  	_ =	shalt  }
0x3f: {  	_ =	shalt  }
0x40: {  	_ =	shalt  }
0x41: {  	_ =	shalt  }
0x42: {  	_ =	shalt  }
0x43: {  	_ =	shalt  }
0x44: {  	_ =	shalt  }
0x45: {  	_ =	shalt  }
0x46: {  	_ =	shalt  }
0x47: {  	_ =	shalt  }
0x48: {  	_ =	shalt  }
0x49: {  	_ =	shalt  }
0x4a: {  	_ =	shalt  }
0x4b: {  	_ =	shalt  }
0x4c: {  	_ =	shalt  }
0x4d: {  	_ =	shalt  }
0x4e: {  	_ =	shalt  }
0x4f: {  	_ =	shalt  }
0x50: {  	_ =	shalt  }
0x51: {  	_ =	shalt  }
0x52: {  	_ =	shalt  }
0x53: {  	_ =	shalt  }
0x54: {  	_ =	shalt  }
0x55: {  	_ =	shalt  }
0x56: {  	_ =	shalt  }
0x57: {  	_ =	shalt  }
0x58: {  	_ =	shalt  }
0x59: {  	_ =	shalt  }
0x5a: {  	_ =	shalt  }
0x5b: {  	_ =	shalt  }
0x5c: {  	_ =	shalt  }
0x5d: {  	_ =	shalt  }
0x5e: {  	_ =	shalt  }
0x5f: {  	_ =	shalt  }
0x60: {  	_ =	shalt  }
0x61: {  	_ =	shalt  }
0x62: {  	_ =	shalt  }
0x63: {  	_ =	shalt  }
0x64: {  	_ =	shalt  }
0x65: {  	_ =	shalt  }
0x66: {  	_ =	shalt  }
0x67: {  	_ =	shalt  }
0x68: {  	_ =	shalt  }
0x69: {  	_ =	shalt  }
0x6a: {  	_ =	shalt  }
0x6b: {  	_ =	shalt  }
0x6c: {  	_ =	shalt  }
0x6d: {  	_ =	shalt  }
0x6e: {  	_ =	shalt  }
0x6f: {  	_ =	shalt  }
0x70: {  	_ =	shalt  }
0x71: {  	_ =	shalt  }
0x72: {  	_ =	shalt  }
0x73: {  	_ =	shalt  }
0x74: {  	_ =	shalt  }
0x75: {  	_ =	shalt  }
0x76: {  	_ =	shalt  }
0x77: {  	_ =	shalt  }
0x78: {  	_ =	shalt  }
0x79: {  	_ =	shalt  }
0x7a: {  	_ =	shalt  }
0x7b: {  	_ =	shalt  }
0x7c: {  	_ =	shalt  }
0x7d: {  	_ =	shalt  }
0x7e: {  	_ =	shalt  }
0x7f: {  	_ =	shalt  }
0x80: {  	_ =	shalt  }
0x81: {  	_ =	shalt  }
0x82: {  	_ =	shalt  }
0x83: {  	_ =	shalt  }
0x84: {  	_ =	shalt  }
0x85: {  	_ =	shalt  }
0x86: {  	_ =	shalt  }
0x87: {  	_ =	shalt  }
.Lfunc_end0:
.L_simem_size_0:
called_computation_lowered:
.L_overlay_start_0:
0x88: {  	s2 =	sld [smem:$0x3FD9]  }
0x89: {  	s3 =	sld [smem:$0x3FFE];
	_ =	sdelay $0x1  }
0x8a: {  	s1 =	srdreg.scid  }
0x8b: {  	s0 =	sand.u32 $0x1, s1  }
0x8c: {  	s17 =	sshll.u32 s0, $0xA;
	s2 =	sadd.s32 s3, s2  }
0x8d: {  	s2 =	sadd.s32 s2, s17  }
0x8e: {  	[smem:$0x3FC4] =	sst s2  }
0x8f: {  	_ = 	snop  }
0x90: {  	s2 =	sld [smem:$0x3FD0];
	(tm) =	ssettm $0x1  }
0x91: {  	s18 =	sld [smem:$0x3FFB];
	_ =	sdelay $0x3  }
0x92: {  	_ =	strace s18  }
0x93: {  	s3 =	sld [smem:$0x3FFC];
	_ =	sdelay $0x3  }
0x94: {  	_ =	strace s3  }
0x95: {  	s3 =	sld [smem:$0x3FFD];
	_ =	sdelay $0x3  }
0x96: {  	_ =	strace s3  }
0x97: {  	_ =	strace $0x8FFFFFFF  }
0x98: {  	s19 =	sld [smem:$0x3FDB];
	_ =	sdelay $0x1  }
0x99: {  	s4 =	simm.s32 $_scs_section_size  }
0x9a: {  	s5 =	simm.s32 $_size__tile_overlayer_lowered;
	s6 =	simm.s32 $_tile_overlayer_lowered  }
0x9b: {  	s22 =	simm.s32 $0x1BFF;
	s21 =	sshll.u32 s6, $0x1;
	s3 =	sadd.s32 s4, s19  }
0x9c: {  	s7 =	simm.s32 $0x0;
	s20 =	sshll.u32 s5, $0x1;
	s5 =	sadd.s32 s21, s3  }
0x9d: {  	[timem:s7], [sflag:s22] =	dma.local [hbm:s5], s20  }
0x9e: {  	_ =	swait.ge [sflag:s22], s20  }
0x9f: {  	s4 =	ssub.s32 $0x0, s20;
	[sflag:s22] =	ssyncset.done $0x0  }
0xa0: {  	[sflag:s22] =	ssyncadd.s32 s4;
	_ =	sdelay $0x1  }
0xa1: {  	s23 =	simm.s32 $0x1B8B  }
0xa2: {  	_ =	swait.ge [sflag:s23], $0x1  }
0xa3: {  	[sflag:s23] =	ssyncset.done $0x0  }
0xa4: {  	s25 =	simm.s32 $0x1B8E;
	s24 =	sld [smem:$0x3FFE];
	[sflag:s23] =	ssyncadd.s32 $0xFFFFFFFF  }
0xa5: {  	s26 =	simm.s32 $execute0_lowered;
	[smem:$0x3FD2] =	sst s25  }
0xa6: {  	s5 =	sshll.u32 s26, $0x1;
	_ =	strace $0x80000046;
	[dreg:$0x1] =	wrdreg $0xFFFFFFFF  }
0xa7: {  	s28 =	simm.s32 $_size_execute0_lowered;
	s3 =	sadd.s32 s3, s5;
	[dreg:$0x0] =	wrdreg $0x0  }
0xa8: {  	s5 =	sshll.u32 s28, $0x1;
	[dreg:$0x2] =	wrdreg s3  }
0xa9: {  	[dreg:$0x3] =	wrdreg s5  }
0xaa: {  	[dreg:$0x4] =	wrdreg $0xC0  }
0xab: {  	_ =	task [dreg:s7], $0x5FFFF  }
0xac: {  	[dreg:$0x1] =	wrdreg $0xFFFFFFFF  }
0xad: {  	[dreg:$0x0] =	wrdreg $0x60  }
0xae: {  	[dreg:$0x2] =	wrdreg s24  }
0xaf: {  	[dreg:$0x3] =	wrdreg s2  }
0xb0: {  	[dreg:$0x4] =	wrdreg $0x9  }
0xb1: {  	_ =	task.clear_ibuf [dreg:s7], $0x5FFFF;
	_ =	strace $0x90000046  }
0xb2: {  	s29 =	simm.s32 $0x9;
	_ =	strace $0x80000048  }
0xb3: {  	_ =	swait.ge [sflag:s29], $0x1  }
0xb4: {  	[sflag:s29] =	ssyncadd.s32 $0xFFFFFFFF  }
0xb5: {  	_ =	strace $0x90000048  }
0xb6: {  	_ =	sfence  }
0xb7: {  	s30 =	sld [smem:$0x0];
	_ =	sdelay $0x2  }
0xb8: {  	s31 =	sshll.u32 s1, $0xD;
	s1 =	sshrl.u32 s1, $0x2  }
0xb9: {  	s3 =	sand.u32 $0x4000, s31;
	s1 =	sadd.s32 s1, s30  }
0xba: {  	s0 =	sor.u32 s3, s0;
	s1 =	sshll.u32 s1, $0x11  }
0xbb: {  	s0 =	sor.u32 s1, s0  }
0xbc: {  	s0 =	sadd.s32 $0x8F2B, s0  }
0xbd: {  	[sflag:s0] =	ssyncadd.remote.s32 $0x1  }
0xbe: {  	_ =	sfence.sel $0xFFFF  }
0xbf: {  	[dreg:$0x0] =	wrdreg $0xFFFFFFFF;
	(pc) =	sbr.abs _section_cstart, $3  }
0xc0: {  	[dreg:$0x1] =	wrdreg $0xFFFFFFFF  }
0xc1: {  	_ =	task.clear_ibuf [dreg:s7], $0x2FFFF;
	_ =	strace $0x9FFFFFFF  }
0xc2: {  	(tm) =	ssettm $0x7FFFFFFF  }
0xc3: {  	_ =	shalt  }
tec
execute0_lowered:
.L_overlay_start_1:
0x0: {  	(tag) =	ssettag $0x1  }
0x1: {  	s4 =	rddreg [dreg:$0x0]  }
0x2: {  	s1 =	srdreg.scid;
	s0 =	stileid.u32  }
0x3: {  	s6 =	rddreg [dreg:$0x1];
	s2 =	simm.s32 $0x0;
	s10 =	simm.s32 $0x7C80  }
0x4: {  	s11 =	simm.s32 $0x7D00;
	s5 =	sand.u32 $0x1, s1;
	s3 =	sshll.u32 s0, $0x1  }
0x5: {  	s12 =	simm.s32 $0x0;
	s1 =	rddreg [dreg:$0x2];
	s7 =	sor.u32 s5, s3  }
0x6: {  	[smem:$0x7FF] =	sst s2;
	s5 =	ssub.s32 $0x2, s5;
	s3 =	smul.u32 $0x680, s7  }
0x7: {  	_ =	strace $0x80000047;
	s9 =	sshrl.u32 s5, $0x1;
	s7 =	sshll.u32 s7, $0x5  }
0x8: {  	s9 =	ssub.s32 s5, s9;
	s6 =	sadd.s32 s6, s7;
	s8 =	sadd.s32 s3, s4  }
0x9: {  	s3 =	sadd.s32 $0xE000, s4;
	s4 =	sadd.s32 $0xE00, s4;
	s7 =	smax.u32 s9, $0x1  }
0xa: {  	s9 =	simm.s32 $0x3400;
	s5 =	sadd.s32 $0x1000, s8;
	s8 =	simm.s32 $0x1  }
.LBB2_1:
0xb: {  	[tilespmem:s2], [sflag:$0x1] =	stream.linear.gather [hbm4b:s5+s2], $0x3400, $0x38;
	[tilespmem:$0x7E00] =	vst v63  }
0xc: {  	_ =	swait.ge [sflag:s8], $0x3400  }
0xd: {  	[sflag:s8] =	ssyncset.done $0x0  }
0xe: {  	[sflag:s8] =	ssyncadd.s32 $0xFFFFCC00  }
0xf: {  	[tilespmem:s9], [sflag:$0x1] =	stream.linear.gather [hbm4b:s3+s2], $0x4880, $0x38;
	[tilespmem:$0x7E00] =	vst v63  }
0x10: {  	_ =	swait.ge [sflag:s8], $0x4880  }
0x11: {  	[sflag:s8] =	ssyncset.done $0x0  }
0x12: {  	[sflag:s8] =	ssyncadd.s32 $0xFFFFB780  }
0x13: {  	[tilespmem:s10], [sflag:$0x1] =	stream.linear.gather [hbm4b:s4+s2], $0x80, $0x38;
	[tilespmem:$0x7E00] =	vst v63  }
0x14: {  	_ =	swait.ge [sflag:s8], $0x80  }
0x15: {  	[sflag:s8] =	ssyncset.done $0x0  }
0x16: {  	s13 =	simm.s32 $0x0;
	[sflag:s8] =	ssyncadd.s32 $0xFFFFFF80  }
0x17: {  	v0 =	vld [tilespmem:s13+$0x30]  }
0x18: {  	v1 =	vld [tilespmem:s13+$0x20];
	_ =	sdelay $0x1  }
0x19: {  	v2 =	vld [tilespmem:s13+$0x0]  }
0x1a: {  	v3 =	vld [tilespmem:s13+$0x40]  }
0x1b: {  	v4 =	vand.u32 $0xFFFF, v0  }
0x1c: {  	v5 =	vld [tilespmem:s13+$0x70];
	v6 =	vand.u32 $0xFFFF, v1  }
0x1d: {  	v8 =	vld [tilespmem:s13+$0x60];
	v0 =	vshrl.u32 v0, $0x10  }
0x1e: {  	v9 =	vld [tilespmem:s13+$0x10];
	v7 =	vand.u32 $0xFFFF, v2  }
0x1f: {  	v10 =	vld [tilespmem:s13+$0x50];
	v11 =	vshrl.u32 v3, $0x10  }
0x20: {  	v2 =	vshrl.u32 v2, $0x10;
	v12 =	vld.idx.msk [tilespmem:v4+s9+$0x0], $0xffff  }
0x21: {  	v3 =	vand.u32 $0xFFFF, v3;
	v6 =	vld.idx.msk [tilespmem:v6+s9+$0x0], $0xffff  }
0x22: {  	v1 =	vshrl.u32 v1, $0x10;
	v13 =	vld.idx.msk [tilespmem:v0+s9+$0x0], $0xffff  }
0x23: {  	v17 =	vand.u32 $0xFFFF, v5;
	v5 =	vshrl.u32 v5, $0x10;
	v0 =	vld.idx.msk [tilespmem:v7+s9+$0x0], $0xffff  }
0x24: {  	v15 =	vshrl.u32 v8, $0x10;
	v11 =	vld.idx.msk [tilespmem:v11+s9+$0x0], $0xffff  }
0x25: {  	v2 =	vld.idx.msk [tilespmem:v2+s9+$0x0], $0xffff  }
0x26: {  	v19 =	vimm.f32 $0.0e+00;
	v24 =	vld.idx.msk [tilespmem:v3+s9+$0x0], $0xffff  }
0x27: {  	v34 =	vshrl.u32 v9, $0x10;
	v4 =	vand.u32 $0xFFFF, v8;
	v8 =	vand.u32 $0xFFFF, v9;
	v9 =	vld.idx.msk [tilespmem:v1+s9+$0x0], $0xffff  }
0x28: {  	v18 =	vimm.f32 $0.0e+00;
	v16 =	vimm.f32 $0.0e+00;
	v14 =	vimm.f32 $0.0e+00;
	v22 =	vld.idx.msk [tilespmem:v5+s9+$0x0], $0xffff  }
0x29: {  	v25 =	vand.u32 $0xFFFF, v10;
	v7 =	vimm.f32 $0.0e+00;
	v3 =	vshrl.u32 v10, $0x10;
	v21 =	vld.idx.msk [tilespmem:v15+s9+$0x0], $0xffff  }
0x2a: {  	v10 =	vimm.f32 $0.0e+00;
	v15 =	vld.idx.msk [tilespmem:v17+s9+$0x0], $0xffff;
	v17 =	vimm.f32 $0.0e+00;
	v5 =	vimm.f32 $0.0e+00  }
0x2b: {  	v30 =	vshll.u32 v6, $0x10;
	v29 =	vand.u32 $0xFFFF0000, v6;
	v26 =	vand.u32 $0xFFFF0000, v12  }
0x2c: {  	v35 =	vshll.u32 v0, $0x10;
	v32 =	vand.u32 $0xFFFF0000, v0;
	v31 =	vshll.u32 v12, $0x10  }
0x2d: {  	v27 =	vshll.u32 v11, $0x10;
	v37 =	vshll.u32 v2, $0x10;
	v36 =	vshll.u32 v13, $0x10  }
0x2e: {  	v33 =	vand.u32 $0xFFFF0000, v13;
	v38 =	vand.u32 $0xFFFF0000, v2;
	v2 =	vand.u32 $0xFFFF0000, v24;
	v23 =	vld.idx.msk [tilespmem:v8+s9+$0x0], $0xffff  }
0x2f: {  	v6 =	vand.u32 $0xFFFF0000, v11;
	v40 =	vshll.u32 v9, $0x10;
	v39 =	vand.u32 $0xFFFF0000, v9;
	v28 =	vld.idx.msk [tilespmem:v3+s9+$0x0], $0xffff  }
0x30: {  	v1 =	vld [tilespmem:$0x7C90];
	v12 =	vimm.f32 $0.0e+00;
	v11 =	vimm.f32 $0.0e+00;
	v8 =	vimm.f32 $0.0e+00  }
0x31: {  	v34 =	vld.idx.msk [tilespmem:v34+s9+$0x0], $0xffff;
	v13 =	vimm.f32 $0.0e+00;
	v9 =	vimm.f32 $0.0e+00;
	v3 =	vimm.f32 $0.0e+00  }
0x32: {  	s13 =	simm.s32 $0x200;
	v0 =	vld [tilespmem:$0x7C80];
	v20 =	vadd.f32 v6, v2;
	v2 =	vimm.f32 $0.0e+00;
	v6 =	vimm.f32 $0.0e+00  }
.LBB2_2:
0x33: {  	s14 =	sshra.s32 s13, $0x2;
	p0 =	sne.s32 s13, $0xC600;
	s13 =	sadd.s32 $0x200, s13;
	v35 =	vadd.f32 v37, v35;
	v37 =	vshll.u32 v23, $0x10;
	v30 =	vadd.f32 v40, v30;
	v25 =	vld.idx.msk [tilespmem:v25+s9+$0x0], $0xffff  }
0x34: {  	v32 =	vadd.f32 v38, v32;
	v29 =	vadd.f32 v39, v29;
	v38 =	vand.u32 $0xFFFF0000, v28;
	v40 =	vld [tilespmem:s14+$0x70]  }
0x35: {  	v31 =	vadd.f32 v36, v31;
	v28 =	vshll.u32 v28, $0x10;
	v36 =	vand.u32 $0xFFFF0000, v22;
	v39 =	vld [tilespmem:s14+$0x60]  }
0x36: {  	v26 =	vadd.f32 v33, v26;
	v24 =	vshll.u32 v24, $0x10;
	v7 =	vadd.f32 v32, v7;
	v41 =	vld [tilespmem:s14+$0x30]  }
0x37: {  	v24 =	vadd.f32 v27, v24;
	v19 =	vadd.f32 v35, v19;
	v27 =	vshll.u32 v21, $0x10;
	v32 =	vld [tilespmem:s14+$0x20]  }
0x38: {  	v18 =	vadd.f32 v26, v18;
	v26 =	vshll.u32 v15, $0x10;
	v35 =	vshll.u32 v34, $0x10;
	v33 =	vld [tilespmem:s14+$0x0]  }
0x39: {  	v22 =	vshll.u32 v22, $0x10;
	v16 =	vadd.f32 v31, v16;
	v31 =	vand.u32 $0xFFFF0000, v25;
	v42 =	vld [tilespmem:s14+$0x10]  }
0x3a: {  	v23 =	vand.u32 $0xFFFF0000, v23;
	v34 =	vand.u32 $0xFFFF0000, v34;
	v44 =	vshll.u32 v25, $0x10;
	v43 =	vld [tilespmem:s14+$0x40]  }
0x3b: {  	v14 =	vadd.f32 v30, v14;
	v25 =	vshrl.u32 v41, $0x10;
	v41 =	vand.u32 $0xFFFF, v41  }
0x3c: {  	v22 =	vadd.f32 v22, v26;
	v30 =	vshrl.u32 v32, $0x10;
	v32 =	vand.u32 $0xFFFF, v32;
	v45 =	vld.idx.msk [tilespmem:v4+s9+$0x0], $0xffff  }
0x3d: {  	v12 =	vadd.f32 v29, v12;
	v46 =	vshrl.u32 v39, $0x10;
	v4 =	vand.u32 $0xFFFF, v39;
	v26 =	vld [tilespmem:s14+$0x50]  }
0x3e: {  	v2 =	vadd.f32 v22, v2;
	v39 =	vand.u32 $0xFFFF, v40;
	v29 =	vand.u32 $0xFFFF, v33  }
0x3f: {  	v31 =	vadd.f32 v38, v31;
	v22 =	vshrl.u32 v43, $0x10;
	v43 =	vand.u32 $0xFFFF, v43  }
0x40: {  	v40 =	vshrl.u32 v40, $0x10;
	v33 =	vshrl.u32 v33, $0x10;
	v47 =	vshrl.u32 v42, $0x10;
	v38 =	vld.idx.msk [tilespmem:v41+s9+$0x0], $0xffff  }
0x41: {  	v11 =	vadd.f32 v24, v11;
	v10 =	vadd.f32 v31, v10;
	v41 =	vand.u32 $0xFFFF, v42;
	v32 =	vld.idx.msk [tilespmem:v32+s9+$0x0], $0xffff  }
0x42: {  	v44 =	vadd.f32 v28, v44;
	v42 =	vld.idx.msk [tilespmem:v25+s9+$0x0], $0xffff;
	v31 =	vshrl.u32 v26, $0x10;
	v25 =	vand.u32 $0xFFFF, v26  }
0x43: {  	v35 =	vadd.f32 v35, v37;
	v24 =	vshll.u32 v45, $0x10;
	v26 =	vand.u32 $0xFFFF0000, v45;
	v28 =	vld.idx.msk [tilespmem:v29+s9+$0x0], $0xffff  }
0x44: {  	v21 =	vand.u32 $0xFFFF0000, v21;
	v45 =	vld.idx.msk [tilespmem:v22+s9+$0x0], $0xffff;
	v22 =	vadd.f32 v34, v23;
	v23 =	vadd.f32 v27, v24  }
0x45: {  	v8 =	vadd.f32 v20, v8;
	v15 =	vand.u32 $0xFFFF0000, v15;
	v20 =	vadd.f32 v21, v26;
	v34 =	vld.idx.msk [tilespmem:v33+s9+$0x0], $0xffff  }
0x46: {  	v15 =	vadd.f32 v36, v15;
	v24 =	vld.idx.msk [tilespmem:v43+s9+$0x0], $0xffff;
	v6 =	vadd.f32 v23, v6  }
0x47: {  	v29 =	vand.u32 $0xFFFF0000, v32;
	v13 =	vadd.f32 v22, v13;
	v43 =	vld.idx.msk [tilespmem:v30+s9+$0x0], $0xffff;
	v30 =	vshll.u32 v32, $0x10  }
0x48: {  	v17 =	vadd.f32 v35, v17;
	v26 =	vand.u32 $0xFFFF0000, v38;
	v5 =	vadd.f32 v20, v5;
	v23 =	vld.idx.msk [tilespmem:v41+s9+$0x0], $0xffff  }
.Ltmp0:
0x49: {  	v9 =	vadd.f32 v44, v9;
	v35 =	vshll.u32 v28, $0x10;
	v32 =	vand.u32 $0xFFFF0000, v28;
	v28 =	vld.idx.msk [tilespmem:v31+s9+$0x0], $0xffff;
	(pc) =	sbr.rel @p0 .LBB2_2-.Ltmp0, $4  }
0x4a: {  	v3 =	vadd.f32 v15, v3;
	v31 =	vshll.u32 v38, $0x10;
	v27 =	vshll.u32 v45, $0x10;
	v22 =	vld.idx.msk [tilespmem:v40+s9+$0x0], $0xffff  }
0x4b: {  	v36 =	vshll.u32 v42, $0x10;
	v33 =	vand.u32 $0xFFFF0000, v42;
	v37 =	vshll.u32 v34, $0x10;
	v21 =	vld.idx.msk [tilespmem:v46+s9+$0x0], $0xffff  }
0x4c: {  	v41 =	vand.u32 $0xFFFF0000, v45;
	v38 =	vand.u32 $0xFFFF0000, v34;
	v20 =	vand.u32 $0xFFFF0000, v24;
	v15 =	vld.idx.msk [tilespmem:v39+s9+$0x0], $0xffff  }
0x4d: {  	v40 =	vshll.u32 v43, $0x10;
	v39 =	vand.u32 $0xFFFF0000, v43;
	v20 =	vadd.f32 v41, v20;
	v34 =	vld.idx.msk [tilespmem:v47+s9+$0x0], $0xffff  }
0x4e: {  	v35 =	vadd.f32 v37, v35  }
0x4f: {  	v30 =	vadd.f32 v40, v30;
	v32 =	vadd.f32 v38, v32  }
0x50: {  	v63 =	vshll.u32 v23, $0x10;
	v29 =	vadd.f32 v39, v29;
	v31 =	vadd.f32 v36, v31  }
0x51: {  	v26 =	vadd.f32 v33, v26;
	v24 =	vshll.u32 v24, $0x10;
	v38 =	vand.u32 $0xFFFF0000, v28  }
0x52: {  	v43 =	vand.u32 $0xFFFF0000, v23;
	v24 =	vadd.f32 v27, v24;
	v8 =	vadd.f32 v20, v8  }
0x53: {  	v46 =	vshll.u32 v28, $0x10;
	v7 =	vadd.f32 v32, v7;
	v19 =	vadd.f32 v35, v19  }
0x54: {  	v42 =	vshll.u32 v22, $0x10;
	v18 =	vadd.f32 v26, v18;
	v16 =	vadd.f32 v31, v16  }
0x55: {  	v57 =	vand.u32 $0xFFFF0000, v22;
	v14 =	vadd.f32 v30, v14;
	v12 =	vadd.f32 v29, v12  }
0x56: {  	v25 =	vld.idx.msk [tilespmem:v25+s9+$0x0], $0xffff;
	v47 =	vshll.u32 v21, $0x10;
	v40 =	vshll.u32 v15, $0x10;
	v11 =	vadd.f32 v24, v11  }
0x57: {  	v54 =	vand.u32 $0xFFFF0000, v21;
	v59 =	vadd.f32 v8, v1;
	v26 =	vadd.f32 v42, v40  }
0x58: {  	v4 =	vld.idx.msk [tilespmem:v4+s9+$0x0], $0xffff;
	v58 =	vand.u32 $0xFFFF0000, v15;
	v19 =	vadd.f32 v19, v0;
	v7 =	vadd.f32 v7, v1  }
0x59: {  	v39 =	vshll.u32 v34, $0x10;
	v14 =	vadd.f32 v14, v0;
	v53 =	vadd.f32 v12, v1  }
0x5a: {  	v44 =	vand.u32 $0xFFFF0000, v34;
	v55 =	vadd.f32 v16, v0;
	v56 =	vadd.f32 v18, v1;
	[tilespmem:$0x7DC0] =	vst v59  }
0x5b: {  	v60 =	vadd.f32 v57, v58;
	v41 =	vand.u32 $0xFFFF0000, v25;
	v27 =	vadd.f32 v39, v63;
	[tilespmem:$0x7D00] =	vst v19  }
0x5c: {  	v23 =	vadd.f32 v44, v43;
	v48 =	vshll.u32 v25, $0x10;
	v11 =	vadd.f32 v11, v0;
	[tilespmem:$0x7D80] =	vst v7  }
0x5d: {  	v51 =	vshll.u32 v4, $0x10;
	v45 =	vadd.f32 v38, v41;
	v50 =	vadd.f32 v46, v48;
	[tilespmem:$0x7D20] =	vst v14  }
0x5e: {  	v4 =	vand.u32 $0xFFFF0000, v4;
	v52 =	vadd.f32 v47, v51;
	[tilespmem:$0x7DA0] =	vst v53;
	v2 =	vadd.f32 v26, v2  }
0x5f: {  	v4 =	vadd.f32 v54, v4;
	[tilespmem:$0x7D30] =	vst v55;
	v3 =	vadd.f32 v60, v3  }
0x60: {  	[tilespmem:$0x7DB0] =	vst v56;
	v17 =	vadd.f32 v27, v17;
	v62 =	vadd.f32 v2, v0  }
0x61: {  	v13 =	vadd.f32 v23, v13;
	[tilespmem:$0x7D40] =	vst v11;
	v63 =	vadd.f32 v3, v1  }
0x62: {  	v9 =	vadd.f32 v50, v9;
	v17 =	vadd.f32 v17, v0;
	[tilespmem:$0x7D70] =	vst v62  }
0x63: {  	v10 =	vadd.f32 v45, v10;
	v49 =	vadd.f32 v13, v1;
	[tilespmem:$0x7DF0] =	vst v63  }
0x64: {  	v6 =	vadd.f32 v52, v6;
	v9 =	vadd.f32 v9, v0;
	[tilespmem:$0x7D10] =	vst v17  }
0x65: {  	v4 =	vadd.f32 v4, v5;
	v61 =	vadd.f32 v10, v1;
	[tilespmem:$0x7D90] =	vst v49  }
0x66: {  	v6 =	vadd.f32 v6, v0;
	[tilespmem:$0x7D50] =	vst v9  }
0x67: {  	s12 =	sadd.s32 $0x1, s12;
	v4 =	vadd.f32 v4, v1;
	[tilespmem:$0x7DD0] =	vst v61  }
0x68: {  	p0 =	sne.s32 s12, s7;
	[tilespmem:$0x7D60] =	vst v6  }
.Ltmp1:
0x69: {  	[tilespmem:$0x7DE0] =	vst v4;
	(pc) =	sbr.rel @p0 .LBB2_1-.Ltmp1, $4  }
0x6a: {  	[hbm4b:s6+s2] =	stream.linear.scatter [tilespmem:s11], [sflag:$0x1], $0x100, $0x38;
	[tilespmem:$0x7E00] =	vst v63  }
0x6b: {  	_ =	swait.ge [sflag:s8], $0x100  }
0x6c: {  	[sflag:s8] =	ssyncset.done $0x0  }
0x6d: {  	[sflag:s8] =	ssyncadd.s32 $0xFFFFFF00  }
0x6e: {  	_ =	sfence.sel $0x180000  }
0x6f: {  	[bflag:$0x0] =	sbarrier.arrive $0xFFFF  }
0x70: {  	p0 =	sne.s32 s0, $0x0;
	_ =	strace $0x90000047  }
0x71: {  	s0 =	sadd.s32 @!p0 $0x100000, s1;
	[bflag:$0x2] =	sbarrier.arrive $0xFFFF  }
0x72: {  	[sflag:s0] =	ssyncadd.tile.s32 @!p0 $0x1;
	_ =	shalt  }
.Lfunc_end2:
_tile_overlayer_lowered:
.L_overlay_start_2:
0x73: {  	(tag) =	ssettag $0x2  }
0x74: {  	s0 =	rddreg [dreg:$0x0];
	s2 =	stileid.u32  }
0x75: {  	s1 =	rddreg [dreg:$0x1];
	p0 =	sne.s32 s2, $0x0  }
0x76: {  	s3 =	rddreg [dreg:$0x2];
	[bflag:$0x3] =	sbarrier.arrive $0xFFFF;
	s2 =	simm.s32 @!p0 $0x1C01  }
0x77: {  	[timem:s3], [sflag:s2] =	dma.local @!p0 [hbm:s0], s1  }
0x78: {  	s0 =	simm.s32 @!p0 $0x1  }
0x79: {  	_ =	swait.ge @!p0 [sflag:s0], s1  }
0x7a: {  	s1 =	ssub.s32 @!p0 $0x0, s1;
	[sflag:s0] =	ssyncset.done @!p0 $0x0  }
0x7b: {  	[sflag:s0] =	ssyncadd.s32 @!p0 s1  }
0x7c: {  	[bflag:$0x3] =	sbarrier.arrive $0xFFFF  }
0x7d: {  	_ =	shalt  }

</sc_bundles>
